<compile_context>
chip_gen: v7x
topology: tpu7x:2x2x1
jax: 0.10.2.dev20260603
libtpu: 0.0.44.dev20260713+nightly
codegen_flags: <defaults>
</compile_context>

<pallas_src>
import functools

import jax
import jax.numpy as jnp
from jax import lax
from jax.experimental import pallas as pl
from jax.experimental.pallas import tpu as pltpu
from jax.experimental.pallas import tpu_sc as plsc

PROB = 0.5

_B, _N, _D = 64, 1024, 768
_K = max(1, int(_N * (1.0 - PROB)))

_NC, _NS = 2, 16
_NW = _NC * _NS
_ROWS = _B * _K
_ROWS_PER_W = _ROWS // _NW
_CHUNK = 64
_NCHUNK = _ROWS_PER_W // _CHUNK


def _topk_idx_body(s_row_ref, s_col_ref, out_ref):
    n = _N
    k = _K
    bi = pl.program_id(0)
    s_row = s_row_ref[0]
    s_col = s_col_ref[0]
    si = lax.broadcast_in_dim(s_col, (n, n), (0, 1))
    sj = lax.broadcast_in_dim(s_row, (n, n), (0, 1))
    ii = lax.broadcasted_iota(jnp.int32, (n, n), 0)
    jj = lax.broadcasted_iota(jnp.int32, (n, n), 1)
    better = (si > sj) | ((si == sj) & (ii < jj))
    bf = better.astype(jnp.float32)
    ones = jnp.ones((1, n), jnp.float32)
    rank = lax.dot_general(ones, bf, (((1,), (0,)), ((), ())),
                           preferred_element_type=jnp.float32)
    rk = lax.broadcast_in_dim(rank, (k, n), (0, 1))
    rr = lax.broadcasted_iota(jnp.int32, (k, n), 0).astype(jnp.float32)
    onehot = (rk == rr).astype(jnp.float32)
    jjf = lax.broadcasted_iota(jnp.int32, (k, n), 1).astype(jnp.float32)
    idx = jnp.sum(onehot * jjf, axis=1, keepdims=True)
    out_ref[0] = (idx + jnp.float32(n) * bi).astype(jnp.int32)


def _topk_flat_indices(scores):
    b, n, k = _B, _N, _K
    out = pl.pallas_call(
        _topk_idx_body,
        grid=(b,),
        in_specs=[
            pl.BlockSpec((1, 1, n), lambda i: (i, 0, 0)),
            pl.BlockSpec((1, n, 1), lambda i: (i, 0, 0)),
        ],
        out_specs=pl.BlockSpec((1, k, 1), lambda i: (i, 0, 0)),
        out_shape=jax.ShapeDtypeStruct((b, k, 1), jnp.int32),
    )(scores.reshape(b, 1, n), scores.reshape(b, n, 1))
    return out.reshape(b * k)


def _sc_gather_body(x_hbm, fidx_hbm, out_hbm, idx_v, buf_v, gsem):
    wid = lax.axis_index("s") * _NC + lax.axis_index("c")
    base = wid * _ROWS_PER_W
    pltpu.sync_copy(fidx_hbm.at[pl.ds(base, _ROWS_PER_W)], idx_v)

    def chunk(c, carry):
        off = c * _CHUNK
        pltpu.async_copy(
            x_hbm.at[idx_v.at[pl.ds(off, _CHUNK)]], buf_v, gsem
        ).wait()
        pltpu.sync_copy(buf_v, out_hbm.at[pl.ds(base + off, _CHUNK)])
        return carry

    lax.fori_loop(0, _NCHUNK, chunk, 0)


@functools.cache
def _make_sc_gather():
    return functools.partial(
        pl.kernel,
        mesh=plsc.VectorSubcoreMesh(core_axis_name="c", subcore_axis_name="s"),
        out_type=jax.ShapeDtypeStruct((_ROWS, _D), jnp.float32),
        scratch_types=[
            pltpu.VMEM((_ROWS_PER_W,), jnp.int32),
            pltpu.VMEM((_CHUNK, _D), jnp.float32),
            pltpu.SemaphoreType.DMA,
        ],
    )(_sc_gather_body)


def kernel(x):
    b, n, d = x.shape
    scores = jax.random.normal(jax.random.key(1), (b, n), dtype=jnp.float32)
    fidx = _topk_flat_indices(scores)
    out = _make_sc_gather()(x.reshape(b * n, d), fidx)
    return out.reshape(b, _K, d)

# --- scband reference (transcript-rebuilt; emitter-appended) ---
"""Pipeline reference for scband-patch-dropout-54211077210737 (READ-ONLY COPY).

The authoritative reference and input builder live on the scoring server;
editing this copy changes nothing except your own understanding.
"""

import jax, jax.numpy as jnp
import numpy as np

PROB = 0.5

def setup_inputs(seed: int = 0) -> dict:
    key = jax.random.key(seed)
    x = jax.random.normal(key, (64, 1024, 768), dtype=jnp.float32)
    return {"x": x}

def reference(x):
    # PatchDropout.forward in training mode:
    # sample random scores per (batch, patch), keep top-k patches, gather them.
    b, n, d = x.shape
    num_patches_keep = max(1, int(n * (1.0 - PROB)))
    scores = jax.random.normal(jax.random.key(1), (b, n), dtype=jnp.float32)
    _, patch_indices_keep = jax.lax.top_k(scores, num_patches_keep)
    # x[batch_indices, patch_indices_keep] -> gather along patch axis
    out = jnp.take_along_axis(x, patch_indices_keep[..., None], axis=1)
    return out

if __name__ == "__main__":
    import jax
    _d = setup_inputs()
    print(jax.jit(kernel)(*tuple(_d.values())))

</pallas_src>

<mosaic_0001>
#map = affine_map<(d0, d1) -> (0, 0)>
#map1 = affine_map<(d0, d1) -> (0)>
module attributes {stable_mosaic.version = 14 : i64} {
  func.func @_sc_gather_body(%arg0: i32, %arg1: i32, %arg2: memref<65536x768xf32, #tpu.memory_space<hbm>>, %arg3: memref<32768xi32, #tpu.memory_space<hbm>>, %arg4: memref<32768x768xf32, #tpu.memory_space<hbm>>, %arg5: memref<1024xi32, #tpu.memory_space<vmem>>, %arg6: memref<64x768xf32, #tpu.memory_space<vmem>>, %arg7: memref<!tpu.dma_semaphore, #tpu.memory_space<semaphore_mem>>) attributes {dimension_semantics = [#tpu.dimension_semantics<core_parallel>, #tpu.dimension_semantics<subcore_parallel>], iteration_bounds = array<i64: 2, 16>, scalar_prefetch = 0 : i64, scratch_operands = 3 : i64, tpu.core_type = #tpu.core_type<sc_vector_subcore>, window_params = [{transform_indices = #map}, {transform_indices = #map1}, {transform_indices = #map}]} {
    %mul3A = arith.constant 2 : i32
    %mul3A_0 = arith.muli %arg1, %mul3A : i32
    %add3A = arith.addi %mul3A_0, %arg0 : i32
    %mul3A_1 = arith.constant 1024 : i32
    %mul3A_2 = arith.muli %add3A, %mul3A_1 : i32
    "tpu.region"() ({
      %run_scoped3A = tpu.sem_alloc : memref<!tpu.dma_semaphore, #tpu.memory_space<semaphore_mem>>
      %dma_start3A = tpu.memref_slice %arg3[%mul3A_2] : memref<32768xi32, #tpu.memory_space<hbm>> -> memref<1024xi32, #tpu.memory_space<hbm>>
      %dma_start3A_8 = tpu.memref_slice %arg3[%mul3A_2] : memref<32768xi32, #tpu.memory_space<hbm>> -> memref<1024xi32, #tpu.memory_space<hbm>>
      tpu.enqueue_dma source(%dma_start3A_8 : memref<1024xi32, #tpu.memory_space<hbm>>) target(%arg5 : memref<1024xi32, #tpu.memory_space<vmem>>) target_semaphore(%run_scoped3A : memref<!tpu.dma_semaphore, #tpu.memory_space<semaphore_mem>>)
      %dma_wait3A = tpu.memref_slice %arg3[%mul3A_2] : memref<32768xi32, #tpu.memory_space<hbm>> -> memref<1024xi32, #tpu.memory_space<hbm>>
      %dma_wait3A_9 = tpu.memref_slice %arg3[%mul3A_2] : memref<32768xi32, #tpu.memory_space<hbm>> -> memref<1024xi32, #tpu.memory_space<hbm>>
      tpu.wait_dma2 semaphore(%run_scoped3A : memref<!tpu.dma_semaphore, #tpu.memory_space<semaphore_mem>>) src(%dma_wait3A_9 : memref<1024xi32, #tpu.memory_space<hbm>>) dst(%arg5 : memref<1024xi32, #tpu.memory_space<vmem>>)
      tpu.yield
    }) : () -> ()
    %scan3A = arith.constant 0 : i32
    %scan3A_3 = arith.constant 0 : i32
    %scan3A_4 = arith.constant 16 : i32
    %scan3A_5 = arith.addi %scan3A_3, %scan3A_4 : i32
    %scan3A_6 = arith.constant 1 : i32
    scf.for %scan3A_8 = %scan3A_3 to %scan3A_5 step %scan3A_6  : i32 {
      %mul3A_9 = arith.constant 64 : i32
      %mul3A_10 = arith.muli %scan3A_8, %mul3A_9 : i32
      %dma_start3A = tpu.memref_slice %arg5[%mul3A_10] : memref<1024xi32, #tpu.memory_space<vmem>> -> memref<64xi32, #tpu.memory_space<vmem>>
      %dma_start3A_11 = arith.constant 0 : i32
      %dma_start3A_12 = arith.constant 0 : i32
      %dma_start3A_13 = tpu.memref_slice %arg2[%dma_start3A_11, %dma_start3A_12] : memref<65536x768xf32, #tpu.memory_space<hbm>> -> memref<65536x768xf32, #tpu.memory_space<hbm>>
      tpu.enqueue_indirect_dma source(%dma_start3A_13 : memref<65536x768xf32, #tpu.memory_space<hbm>>) target(%arg6 : memref<64x768xf32, #tpu.memory_space<vmem>>) offsets(%dma_start3A : memref<64xi32, #tpu.memory_space<vmem>>) semaphore(%arg7 : memref<!tpu.dma_semaphore, #tpu.memory_space<semaphore_mem>>)
      %dma_wait3A = tpu.memref_slice %arg5[%mul3A_10] : memref<1024xi32, #tpu.memory_space<vmem>> -> memref<64xi32, #tpu.memory_space<vmem>>
      %dma_wait3A_14 = arith.constant 0 : i32
      %dma_wait3A_15 = arith.constant 0 : i32
      %dma_wait3A_16 = tpu.memref_slice %arg2[%dma_wait3A_14, %dma_wait3A_15] : memref<65536x768xf32, #tpu.memory_space<hbm>> -> memref<65536x768xf32, #tpu.memory_space<hbm>>
      tpu.wait_indirect_dma semaphore(%arg7 : memref<!tpu.dma_semaphore, #tpu.memory_space<semaphore_mem>>) src(%dma_wait3A_16 : memref<65536x768xf32, #tpu.memory_space<hbm>>) dst(%arg6 : memref<64x768xf32, #tpu.memory_space<vmem>>)
      %add3A_17 = arith.addi %mul3A_2, %mul3A_10 : i32
      "tpu.region"() ({
        %run_scoped3A = tpu.sem_alloc : memref<!tpu.dma_semaphore, #tpu.memory_space<semaphore_mem>>
        %dma_start3A_18 = arith.constant 0 : i32
        %dma_start3A_19 = tpu.memref_slice %arg4[%add3A_17, %dma_start3A_18] : memref<32768x768xf32, #tpu.memory_space<hbm>> -> memref<64x768xf32, #tpu.memory_space<hbm>>
        %dma_start3A_20 = arith.constant 0 : i32
        %dma_start3A_21 = tpu.memref_slice %arg4[%add3A_17, %dma_start3A_20] : memref<32768x768xf32, #tpu.memory_space<hbm>> -> memref<64x768xf32, #tpu.memory_space<hbm>>
        tpu.enqueue_dma source(%arg6 : memref<64x768xf32, #tpu.memory_space<vmem>>) target(%dma_start3A_21 : memref<64x768xf32, #tpu.memory_space<hbm>>) target_semaphore(%run_scoped3A : memref<!tpu.dma_semaphore, #tpu.memory_space<semaphore_mem>>)
        %dma_wait3A_22 = arith.constant 0 : i32
        %dma_wait3A_23 = tpu.memref_slice %arg4[%add3A_17, %dma_wait3A_22] : memref<32768x768xf32, #tpu.memory_space<hbm>> -> memref<64x768xf32, #tpu.memory_space<hbm>>
        %dma_wait3A_24 = arith.constant 0 : i32
        %dma_wait3A_25 = tpu.memref_slice %arg4[%add3A_17, %dma_wait3A_24] : memref<32768x768xf32, #tpu.memory_space<hbm>> -> memref<64x768xf32, #tpu.memory_space<hbm>>
        tpu.wait_dma2 semaphore(%run_scoped3A : memref<!tpu.dma_semaphore, #tpu.memory_space<semaphore_mem>>) src(%arg6 : memref<64x768xf32, #tpu.memory_space<vmem>>) dst(%dma_wait3A_25 : memref<64x768xf32, #tpu.memory_space<hbm>>)
        tpu.yield
      }) : () -> ()
    }
    %scan3A_7 = arith.constant 16 : i32
    return
  }
}

module attributes {stable_mosaic.version = 14 : i64} {
  func.func @_topk_idx_body(%arg0: i32, %arg1: memref<1x1x1024xf32, #tpu.memory_space<vmem>>, %arg2: memref<1x1024x1xf32, #tpu.memory_space<vmem>>, %arg3: memref<1x512x1xi32, #tpu.memory_space<vmem>>) attributes {dimension_semantics = [#tpu.dimension_semantics<arbitrary>], iteration_bounds = array<i64: 64>, scalar_prefetch = 0 : i64, scratch_operands = 0 : i64, tpu.core_type = #tpu.core_type<tc>, window_params = [{transform_indices = @transform_0, window_bounds = array<i64: 1, 1, 1024>}, {transform_indices = @transform_1, window_bounds = array<i64: 1, 1024, 1>}, {transform_indices = @transform_2, window_bounds = array<i64: 1, 512, 1>}]} {
    %get3A = arith.constant 0 : index
    %get3A_0 = arith.constant 0 : index
    %get3A_1 = arith.constant 0 : index
    %get3A_2 = vector.load %arg1[%get3A, %get3A_0, %get3A_1] : memref<1x1x1024xf32, #tpu.memory_space<vmem>>, vector<1x1x1024xf32>
    %get3A_3 = vector.shape_cast %get3A_2 : vector<1x1x1024xf32> to vector<1x1024xf32>
    %get3A_4 = arith.constant 0 : index
    %get3A_5 = arith.constant 0 : index
    %get3A_6 = arith.constant 0 : index
    %get3A_7 = vector.load %arg2[%get3A_4, %get3A_5, %get3A_6] : memref<1x1024x1xf32, #tpu.memory_space<vmem>>, vector<1x1024x1xf32>
    %get3A_8 = vector.shape_cast %get3A_7 : vector<1x1024x1xf32> to vector<1024x1xf32>
    %broadcast_in_dim3A = vector.shape_cast %get3A_8 : vector<1024x1xf32> to vector<1024x1xf32>
    %broadcast_in_dim3A_9 = vector.broadcast %broadcast_in_dim3A : vector<1024x1xf32> to vector<1024x1024xf32>
    %broadcast_in_dim3A_10 = vector.shape_cast %get3A_3 : vector<1x1024xf32> to vector<1x1024xf32>
    %broadcast_in_dim3A_11 = vector.broadcast %broadcast_in_dim3A_10 : vector<1x1024xf32> to vector<1024x1024xf32>
    %iota3A = tpu.iota {dimensions = array<i32: 0>} : vector<1024x1024xi32>
    %iota3A_12 = tpu.iota {dimensions = array<i32: 1>} : vector<1024x1024xi32>
    %gt3A = arith.cmpf ogt, %broadcast_in_dim3A_9, %broadcast_in_dim3A_11 : vector<1024x1024xf32>
    %eq3A = arith.cmpf oeq, %broadcast_in_dim3A_9, %broadcast_in_dim3A_11 : vector<1024x1024xf32>
    %lt3A = arith.cmpi slt, %iota3A, %iota3A_12 : vector<1024x1024xi32>
    %and3A = arith.andi %eq3A, %lt3A : vector<1024x1024xi1>
    %or3A = arith.ori %gt3A, %and3A : vector<1024x1024xi1>
    %convert_element_type3A = arith.extui %or3A : vector<1024x1024xi1> to vector<1024x1024xi32>
    %convert_element_type3A_13 = arith.sitofp %convert_element_type3A : vector<1024x1024xi32> to vector<1024x1024xf32>
    %broadcast_in_dim3A_14 = arith.constant 1.000000e+00 : f32
    %broadcast_in_dim3A_15 = vector.broadcast %broadcast_in_dim3A_14 : f32 to vector<1x1024xf32>
    %dot_general3A = arith.constant dense<0.000000e+00> : vector<1x1024xf32>
    %dot_general3A_16 = tpu.matmul %broadcast_in_dim3A_15, %convert_element_type3A_13, %dot_general3A {dimension_numbers = #tpu.dot_dimension_numbers<[1], [0], [0], [1], [0, 0, 1, 1], [], []>, transpose_lhs_hint = false} : vector<1x1024xf32>, vector<1024x1024xf32>, vector<1x1024xf32> -> vector<1x1024xf32>
    %broadcast_in_dim3A_17 = vector.shape_cast %dot_general3A_16 : vector<1x1024xf32> to vector<1x1024xf32>
    %broadcast_in_dim3A_18 = vector.broadcast %broadcast_in_dim3A_17 : vector<1x1024xf32> to vector<512x1024xf32>
    %iota3A_19 = tpu.iota {dimensions = array<i32: 0>} : vector<512x1024xi32>
    %convert_element_type3A_20 = arith.sitofp %iota3A_19 : vector<512x1024xi32> to vector<512x1024xf32>
    %eq3A_21 = arith.cmpf oeq, %broadcast_in_dim3A_18, %convert_element_type3A_20 : vector<512x1024xf32>
    %convert_element_type3A_22 = arith.extui %eq3A_21 : vector<512x1024xi1> to vector<512x1024xi32>
    %convert_element_type3A_23 = arith.sitofp %convert_element_type3A_22 : vector<512x1024xi32> to vector<512x1024xf32>
    %iota3A_24 = tpu.iota {dimensions = array<i32: 1>} : vector<512x1024xi32>
    %convert_element_type3A_25 = arith.sitofp %iota3A_24 : vector<512x1024xi32> to vector<512x1024xf32>
    %mul3A = arith.mulf %convert_element_type3A_23, %convert_element_type3A_25 : vector<512x1024xf32>
    %reduce_sum3A = arith.constant dense<0.000000e+00> : vector<512xf32>
    %reduce_sum3A_26 = vector.multi_reduction <add>, %mul3A, %reduce_sum3A [1] : vector<512x1024xf32> to vector<512xf32>
    %broadcast_in_dim3A_27 = vector.shape_cast %reduce_sum3A_26 : vector<512xf32> to vector<512x1xf32>
    %convert_element_type3A_28 = arith.sitofp %arg0 : i32 to f32
    %mul3A_29 = arith.constant 1.024000e+03 : f32
    %mul3A_30 = arith.mulf %mul3A_29, %convert_element_type3A_28 : f32
    %add3A = vector.broadcast %mul3A_30 : f32 to vector<512x1xf32>
    %add3A_31 = arith.addf %broadcast_in_dim3A_27, %add3A : vector<512x1xf32>
    %convert_element_type3A_32 = arith.fptosi %add3A_31 : vector<512x1xf32> to vector<512x1xi32>
    %swap3A = arith.constant 0 : index
    %swap3A_33 = arith.constant 0 : index
    %swap3A_34 = arith.constant 0 : index
    %swap3A_35 = vector.load %arg3[%swap3A, %swap3A_33, %swap3A_34] : memref<1x512x1xi32, #tpu.memory_space<vmem>>, vector<1x512x1xi32>
    %swap3A_36 = vector.shape_cast %swap3A_35 : vector<1x512x1xi32> to vector<512x1xi32>
    %swap3A_37 = vector.shape_cast %convert_element_type3A_32 : vector<512x1xi32> to vector<1x512x1xi32>
    tpu.vector_store %arg3[%swap3A, %swap3A_33, %swap3A_34], %swap3A_37 {strides = array<i32>} : memref<1x512x1xi32, #tpu.memory_space<vmem>>, vector<1x512x1xi32>,
    return
  }
  func.func @transform_0(%arg0: i32) -> (i32, i32, i32) {
    %c0_i32 = arith.constant 0 : i32
    %c0_i32_0 = arith.constant 0 : i32
    %c0_i32_1 = arith.constant 0 : i32
    return %arg0, %c0_i32, %c0_i32_0 : i32, i32, i32
  }
  func.func @transform_1(%arg0: i32) -> (i32, i32, i32) {
    %c0_i32 = arith.constant 0 : i32
    %c0_i32_0 = arith.constant 0 : i32
    %c0_i32_1 = arith.constant 0 : i32
    return %arg0, %c0_i32, %c0_i32_0 : i32, i32, i32
  }
  func.func @transform_2(%arg0: i32) -> (i32, i32, i32) {
    %c0_i32 = arith.constant 0 : i32
    %c0_i32_0 = arith.constant 0 : i32
    %c0_i32_1 = arith.constant 0 : i32
    return %arg0, %c0_i32, %c0_i32_0 : i32, i32, i32
  }
}

</mosaic_0001>

<sc_bundles>
// kernel: kernel.4.cloned.1.call-start
scs
__scs_entry_jumppad:
0x0: {  	(pc) =	sbr.rel $0x88, $3  }
0x1: {  	(tag) =	ssettag $0x0;
	lr =	simm.s32 $0x1  }
0x2: {  	[smem:$0x3FA0] =	sst lr;
	_ =	strace $0xD0000000  }
0x3: {  	_ = 	snop  }
0x4: {  	_ = 	snop  }
0x5: {  	_ = 	snop  }
0x6: {  	_ = 	snop  }
0x7: {  	_ = 	snop  }
__scs_overlays_trampoline_lowered:
0x8: {  	[smem:$0x3FAF] =	sst s0  }
0x9: {  	[smem:$0x3FB0] =	sst s1  }
0xa: {  	[smem:$0x3FB1] =	sst s2  }
0xb: {  	[smem:$0x3FB2] =	sst s3  }
0xc: {  	[smem:$0x3FB3] =	sst s4  }
0xd: {  	[smem:$0x3FB4] =	sst s5  }
0xe: {  	[smem:$0x3FB5] =	sst s6  }
0xf: {  	[smem:$0x3FB6] =	sst s7  }
0x10: {  	[smem:$0x3FB7] =	sst s8  }
0x11: {  	[smem:$0x3FB8] =	sst s9;
	s0 =	simm.s32 @!p0 $0x0  }
0x12: {  	s1 =	sld [smem:$0x3F9E];
	s0 =	simm.s32 @p0 $0x1  }
0x13: {  	[smem:$0x3FB9] =	sst s0;
	s0 =	simm.s32 @!p1 $0x0  }
0x14: {  	s2 =	sld [smem:$0x3F9D];
	s0 =	simm.s32 @p1 $0x1  }
0x15: {  	[smem:$0x3FBA] =	sst s0;
	s0 =	simm.s32 @!p2 $0x0  }
0x16: {  	s3 =	sld [smem:$0x3FDB];
	s0 =	simm.s32 @p2 $0x1  }
0x17: {  	s4 =	simm.s32 $0x1BF5;
	[smem:$0x3FBC] =	sst s0  }
0x18: {  	s0 =	sld [smem:$0x3F9F];
	_ =	swait.ge [sflag:s4], $0x0  }
0x19: {  	s7 =	sld [smem:$0x3FA0]  }
0x1a: {  	s8 =	sadd.s32 $0xFFFFE003, lr  }
0x1b: {  	s9 =	sadd.s32 $0xFFFFFEF7, lr;
	s5 =	simm.s32 $0xFFFFFFFF;
	p2 =	slt.u32 s8, $0xFFFFF086  }
0x1c: {  	p1 =	slt.u32 s9, $0xF7A;
	s5 =	simm.s32 @!p2 $0x0  }
0x1d: {  	s5 =	simm.s32 @p1 $0x1;
	p0 =	seq.s32 s7, s2  }
0x1e: {  	s7 =	smul.u32 @!p0 $0xF7A, s2;
	p2 =	seq.s32 @!p0 s5, $0x0  }
0x1f: {  	s9 =	smul.u32 $0xF7A, s1;
	s8 =	simm.s32 @!p0 $0x1BF5;
	p2 =	por !p2, p0  }
0x20: {  	[sflag:s8] =	ssyncset.s32 @!p0 $0xFFFFF086;
	s6 =	sadd.s32 @!p0 s3, s7;
	s7 =	simm.s32 @!p0 $0x108  }
0x21: {  	s3 =	sadd.s32 s3, s9;
	s6 =	sadd.s32 @!p0 $0x88, s6;
	s7 =	simm.s32 @p2 $0x1082  }
0x22: {  	[simem:s7], [sflag:s8] =	dma.local @!p0 [hbm:s6], $0xF7A  }
0x23: {  	s9 =	sor.u32 $0xD0000000, s2;
	s6 =	simm.s32 $0x108;
	_ =	swait.ge @!p0 [sflag:s8], $0x0  }
0x24: {  	s3 =	sadd.s32 $0x88, s3;
	s6 =	simm.s32 @!p1 $0x1082;
	[sflag:s4] =	ssyncset.s32 $0xFFFFF086  }
0x25: {  	[simem:s6], [sflag:s4] =	dma.local [hbm:s3], $0xF7A  }
0x26: {  	[smem:$0x3FA0] =	sst s1;
	(tag) =	ssettag s2;
	_ =	strace s9  }
0x27: {  	s1 =	sld [smem:$0x3FB0]  }
0x28: {  	s2 =	sld [smem:$0x3FB1]  }
0x29: {  	s4 =	sld [smem:$0x3FB3]  }
0x2a: {  	p0 =	seq.s32 s5, $0x0;
	s5 =	sld [smem:$0x3FB4]  }
0x2b: {  	s6 =	sld [smem:$0x3FB5]  }
0x2c: {  	s7 =	sld [smem:$0x3FB6]  }
0x2d: {  	s3 =	simm.s32 $0x108;
	s8 =	sld [smem:$0x3FB7]  }
0x2e: {  	s3 =	simm.s32 @!p0 $0x1082;
	s9 =	sld [smem:$0x3FB8]  }
0x2f: {  	lr =	sadd.s32 s0, s3;
	s0 =	sld [smem:$0x3FAF]  }
0x30: {  	s3 =	sld [smem:$0x3FB2]  }
0x31: {  	[smem:$0x3FBB] =	sst s10  }
0x32: {  	s10 =	sld [smem:$0x3FB9];
	_ =	sdelay $0x3  }
0x33: {  	p0 =	seq.s32 s10, $0x1;
	s10 =	sld [smem:$0x3FBB];
	_ =	sdelay $0x3  }
0x34: {  	[smem:$0x3FBB] =	sst s10  }
0x35: {  	s10 =	sld [smem:$0x3FBA];
	_ =	sdelay $0x3  }
0x36: {  	p1 =	seq.s32 s10, $0x1;
	s10 =	sld [smem:$0x3FBB];
	_ =	sdelay $0x3  }
0x37: {  	[smem:$0x3FBB] =	sst s10  }
0x38: {  	s10 =	sld [smem:$0x3FBC]  }
0x39: {  	_ = 	snop;
	(pc) =	sbr.ind lr, $3  }
0x3a: {  	_ = 	snop  }
0x3b: {  	_ = 	snop  }
0x3c: {  	p2 =	seq.s32 s10, $0x1;
	s10 =	sld [smem:$0x3FBB]  }
0x3d: {  	_ =	shalt  }
0x3e: {  	_ =	shalt  }
0x3f: {  	_ =	shalt  }
0x40: {  	_ =	shalt  }
0x41: {  	_ =	shalt  }
0x42: {  	_ =	shalt  }
0x43: {  	_ =	shalt  }
0x44: {  	_ =	shalt  }
0x45: {  	_ =	shalt  }
0x46: {  	_ =	shalt  }
0x47: {  	_ =	shalt  }
0x48: {  	_ =	shalt  }
0x49: {  	_ =	shalt  }
0x4a: {  	_ =	shalt  }
0x4b: {  	_ =	shalt  }
0x4c: {  	_ =	shalt  }
0x4d: {  	_ =	shalt  }
0x4e: {  	_ =	shalt  }
0x4f: {  	_ =	shalt  }
0x50: {  	_ =	shalt  }
0x51: {  	_ =	shalt  }
0x52: {  	_ =	shalt  }
0x53: {  	_ =	shalt  }
0x54: {  	_ =	shalt  }
0x55: {  	_ =	shalt  }
0x56: {  	_ =	shalt  }
0x57: {  	_ =	shalt  }
0x58: {  	_ =	shalt  }
0x59: {  	_ =	shalt  }
0x5a: {  	_ =	shalt  }
0x5b: {  	_ =	shalt  }
0x5c: {  	_ =	shalt  }
0x5d: {  	_ =	shalt  }
0x5e: {  	_ =	shalt  }
0x5f: {  	_ =	shalt  }
0x60: {  	_ =	shalt  }
0x61: {  	_ =	shalt  }
0x62: {  	_ =	shalt  }
0x63: {  	_ =	shalt  }
0x64: {  	_ =	shalt  }
0x65: {  	_ =	shalt  }
0x66: {  	_ =	shalt  }
0x67: {  	_ =	shalt  }
0x68: {  	_ =	shalt  }
0x69: {  	_ =	shalt  }
0x6a: {  	_ =	shalt  }
0x6b: {  	_ =	shalt  }
0x6c: {  	_ =	shalt  }
0x6d: {  	_ =	shalt  }
0x6e: {  	_ =	shalt  }
0x6f: {  	_ =	shalt  }
0x70: {  	_ =	shalt  }
0x71: {  	_ =	shalt  }
0x72: {  	_ =	shalt  }
0x73: {  	_ =	shalt  }
0x74: {  	_ =	shalt  }
0x75: {  	_ =	shalt  }
0x76: {  	_ =	shalt  }
0x77: {  	_ =	shalt  }
0x78: {  	_ =	shalt  }
0x79: {  	_ =	shalt  }
0x7a: {  	_ =	shalt  }
0x7b: {  	_ =	shalt  }
0x7c: {  	_ =	shalt  }
0x7d: {  	_ =	shalt  }
0x7e: {  	_ =	shalt  }
0x7f: {  	_ =	shalt  }
0x80: {  	_ =	shalt  }
0x81: {  	_ =	shalt  }
0x82: {  	_ =	shalt  }
0x83: {  	_ =	shalt  }
0x84: {  	_ =	shalt  }
0x85: {  	_ =	shalt  }
0x86: {  	_ =	shalt  }
0x87: {  	_ =	shalt  }
.Lfunc_end0:
.L_simem_size_0:
called_computation_lowered:
.L_overlay_start_0:
0x88: {  	s2 =	sld [smem:$0x3FD9]  }
0x89: {  	s3 =	sld [smem:$0x3FFE];
	_ =	sdelay $0x1  }
0x8a: {  	s1 =	srdreg.scid  }
0x8b: {  	s0 =	sand.u32 $0x1, s1  }
0x8c: {  	s17 =	sshll.u32 s0, $0xA;
	s2 =	sadd.s32 s3, s2  }
0x8d: {  	s2 =	sadd.s32 s2, s17  }
0x8e: {  	[smem:$0x3FC7] =	sst s2  }
0x8f: {  	_ = 	snop  }
0x90: {  	s2 =	sld [smem:$0x3FC9]  }
0x91: {  	s18 =	sld [smem:$0x3FD0];
	(tm) =	ssettm $0x1  }
0x92: {  	s4 =	sld [smem:$0x3FFB];
	_ =	sdelay $0x3  }
0x93: {  	_ =	strace s4  }
0x94: {  	s4 =	sld [smem:$0x3FFC];
	_ =	sdelay $0x3  }
0x95: {  	_ =	strace s4  }
0x96: {  	s4 =	sld [smem:$0x3FFD];
	_ =	sdelay $0x3  }
0x97: {  	_ =	strace s4  }
0x98: {  	_ =	strace $0x8FFFFFFF  }
0x99: {  	s19 =	sld [smem:$0x3FDB];
	_ =	sdelay $0x1  }
0x9a: {  	s5 =	simm.s32 $_scs_section_size  }
0x9b: {  	s6 =	simm.s32 $_size__tile_overlayer_lowered;
	s7 =	simm.s32 $_tile_overlayer_lowered  }
0x9c: {  	s22 =	simm.s32 $0x1BFF;
	s21 =	sshll.u32 s7, $0x1;
	s4 =	sadd.s32 s5, s19  }
0x9d: {  	s8 =	simm.s32 $0x0;
	s20 =	sshll.u32 s6, $0x1;
	s6 =	sadd.s32 s21, s4  }
0x9e: {  	[timem:s8], [sflag:s22] =	dma.local [hbm:s6], s20  }
0x9f: {  	_ =	swait.ge [sflag:s22], s20  }
0xa0: {  	s5 =	ssub.s32 $0x0, s20;
	[sflag:s22] =	ssyncset.done $0x0  }
0xa1: {  	[sflag:s22] =	ssyncadd.s32 s5;
	_ =	sdelay $0x1  }
0xa2: {  	s23 =	simm.s32 $0x1B8B  }
0xa3: {  	_ =	swait.ge [sflag:s23], $0x1  }
0xa4: {  	[sflag:s23] =	ssyncset.done $0x0  }
0xa5: {  	s25 =	simm.s32 $0x1B8E;
	s24 =	sld [smem:$0x3FFE];
	[sflag:s23] =	ssyncadd.s32 $0xFFFFFFFF  }
0xa6: {  	s26 =	simm.s32 $execute0_lowered;
	[smem:$0x3FD2] =	sst s25  }
0xa7: {  	s6 =	sshll.u32 s26, $0x1;
	_ =	strace $0x80000046;
	[dreg:$0x1] =	wrdreg $0xFFFFFFFF  }
0xa8: {  	s28 =	simm.s32 $_size_execute0_lowered;
	s4 =	sadd.s32 s4, s6;
	[dreg:$0x0] =	wrdreg $0x0  }
0xa9: {  	s6 =	sshll.u32 s28, $0x1;
	[dreg:$0x2] =	wrdreg s4  }
0xaa: {  	[dreg:$0x3] =	wrdreg s6  }
0xab: {  	[dreg:$0x4] =	wrdreg $0xC0  }
0xac: {  	_ =	task [dreg:s8], $0x5FFFF  }
0xad: {  	[dreg:$0x1] =	wrdreg $0xFFFFFFFF  }
0xae: {  	[dreg:$0x0] =	wrdreg $0x60  }
0xaf: {  	[dreg:$0x2] =	wrdreg s2  }
0xb0: {  	[dreg:$0x3] =	wrdreg s24  }
0xb1: {  	[dreg:$0x4] =	wrdreg s18  }
0xb2: {  	[dreg:$0x5] =	wrdreg $0x9  }
0xb3: {  	_ =	task.clear_ibuf [dreg:s8], $0x6FFFF;
	_ =	strace $0x90000046  }
0xb4: {  	s29 =	simm.s32 $0x9;
	_ =	strace $0x80000048  }
0xb5: {  	_ =	swait.ge [sflag:s29], $0x1  }
0xb6: {  	[sflag:s29] =	ssyncadd.s32 $0xFFFFFFFF  }
0xb7: {  	_ =	strace $0x90000048  }
0xb8: {  	_ =	sfence  }
0xb9: {  	s30 =	sld [smem:$0x0];
	_ =	sdelay $0x2  }
0xba: {  	s31 =	sshll.u32 s1, $0xD;
	s1 =	sshrl.u32 s1, $0x2  }
0xbb: {  	s3 =	sand.u32 $0x4000, s31;
	s1 =	sadd.s32 s1, s30  }
0xbc: {  	s0 =	sor.u32 s3, s0;
	s1 =	sshll.u32 s1, $0x11  }
0xbd: {  	s0 =	sor.u32 s1, s0  }
0xbe: {  	s0 =	sadd.s32 $0x8F2B, s0  }
0xbf: {  	[sflag:s0] =	ssyncadd.remote.s32 $0x1  }
0xc0: {  	_ =	sfence.sel $0xFFFF  }
0xc1: {  	[dreg:$0x0] =	wrdreg $0xFFFFFFFF;
	(pc) =	sbr.abs _section_cstart, $3  }
0xc2: {  	[dreg:$0x1] =	wrdreg $0xFFFFFFFF  }
0xc3: {  	_ =	task.clear_ibuf [dreg:s8], $0x2FFFF;
	_ =	strace $0x9FFFFFFF  }
0xc4: {  	(tm) =	ssettm $0x7FFFFFFF  }
0xc5: {  	_ =	shalt  }
tec
execute0_lowered:
.L_overlay_start_1:
0x0: {  	(tag) =	ssettag $0x1  }
0x1: {  	s1 =	rddreg [dreg:$0x0]  }
0x2: {  	s0 =	srdreg.scid;
	s2 =	rddreg [dreg:$0x1]  }
0x3: {  	s3 =	stileid.u32;
	s5 =	rddreg [dreg:$0x2];
	s23 =	simm.s32 $0xC00  }
0x4: {  	s24 =	simm.s32 $0x1400;
	s25 =	simm.s32 $0x1C00;
	s26 =	simm.s32 $0x2400  }
0x5: {  	s8 =	simm.s32 $0x2;
	s9 =	simm.s32 $0x400;
	s10 =	simm.s32 $0x2C00  }
0x6: {  	s11 =	simm.s32 $0x3400;
	s12 =	simm.s32 $0x3C00;
	s13 =	simm.s32 $0x4400  }
0x7: {  	s14 =	simm.s32 $0x4C00;
	s15 =	simm.s32 $0x5400;
	s16 =	simm.s32 $0x5C00  }
0x8: {  	s17 =	simm.s32 $0x6400;
	s18 =	simm.s32 $0x6C00;
	s19 =	simm.s32 $0x7400  }
0x9: {  	s20 =	simm.s32 $0x7C00;
	s21 =	simm.s32 $0x8400;
	s22 =	simm.s32 $0x8C00  }
0xa: {  	s28 =	simm.s32 $0xB400;
	s29 =	simm.s32 $0xBC00;
	s0 =	sand.u32 $0x1, s0  }
0xb: {  	s30 =	simm.s32 $0x1;
	s3 =	sshll.u32 s3, $0xB;
	s4 =	sshll.u32 s0, $0xA  }
0xc: {  	s0 =	ssub.s32 $0x2, s0;
	s4 =	sor.u32 s4, s3;
	s3 =	simm.s32 $0x0  }
0xd: {  	s31 =	simm.s32 $0x0;
	s7 =	sshrl.u32 s0, $0x1;
	[smem:$0x7FF] =	sst s3  }
0xe: {  	s4 =	sshrl.u32 s4, $0x3;
	_ =	strace $0x80000047;
	[dreg:$0x5] =	wrdreg s23  }
0xf: {  	s0 =	ssub.s32 s0, s7;
	s6 =	smul.u32 $0x300, s4;
	[dreg:$0x6] =	wrdreg s24  }
0x10: {  	s2 =	sadd.s32 s4, s2;
	s0 =	smax.u32 s0, $0x1;
	[dreg:$0x7] =	wrdreg s25  }
0x11: {  	[dreg:$0x8] =	wrdreg s26;
	s23 =	simm.s32 $0x9400;
	s24 =	simm.s32 $0x9C00  }
0x12: {  	v2 =	vlaneseq.u32;
	s25 =	simm.s32 $0xA400;
	s2 =	sadd.s32 $0x200, s2;
	[dreg:$0xa] =	wrdreg s0  }
0x13: {  	vm0 =	vmmov $0xffff;
	v1 =	vshrl.u32 v2, $0x3;
	s26 =	simm.s32 $0xAC00;
	s5 =	sadd.s32 s6, s5;
	[dreg:$0x9] =	wrdreg s2  }
0x14: {  	v0 =	vand.u32 $0x7, v2;
	v2 =	vor.u32 $0x8, v2;
	v1 =	vmul.u32 $0x8, v1;
	s6 =	sadd.s32 $0x200, s1;
	[dreg:$0x4] =	wrdreg s5;
	s5 =	sadd.s32 $0x100, s1  }
.LBB2_1:
0x15: {  	s0 =	rddreg [dreg:$0x9]  }
0x16: {  	[tilespmem:s3], [sflag:$0x2] =	stream.linear.gather [hbm4b:s0+s3], $0x400, $0x38;
	[tilespmem:$0xC400] =	vst v63  }
0x17: {  	_ =	swait.ge [sflag:s8], $0x400  }
0x18: {  	[sflag:s8] =	ssyncset.done $0x0  }
0x19: {  	s2 =	simm.s32 $0x20;
	s0 =	simm.s32 $0x0;
	[sflag:s8] =	ssyncadd.s32 $0xFFFFFC00  }
.LBB2_2:
0x1a: {  	v3 =	vld [tilespmem:s2+$0xFFFFFFE0];
	_ =	sdelay $0x4  }
0x1b: {  	v4 =	vshrl.u32 v3, $0x3  }
0x1c: {  	v4 =	vmul.u32 $0x30, v4  }
0x1d: {  	v3 =	vand.u32 $0x7, v3  }
0x1e: {  	v3 =	vor.u32 v3, v4  }
0x1f: {  	v4 =	vperm.xlane v3, v0;
	_ =	sdelay $0x1  }
0x20: {  	v4 =	vadd.s32 v1, v4;
	_ =	sdelay $0x3  }
0x21: {  	v3 =	vperm.xlane v3, v2  }
0x22: {  	[tilespmem:s9], [sflag:$0x1] =	stream.indirect_vreg.gather [hbm4b:s1+s3], $0x80, v4, vm0, $0xb8;
	[tilespmem:$0xC400] =	vst v63  }
0x23: {  	s4 =	rddreg [dreg:$0x5];
	v3 =	vadd.s32 v1, v3  }
0x24: {  	[tilespmem:s4], [sflag:$0x1] =	stream.indirect_vreg.gather [hbm4b:s5+s3], $0x80, v4, vm0, $0xb8;
	[tilespmem:$0xC400] =	vst v63  }
0x25: {  	s7 =	rddreg [dreg:$0x6]  }
0x26: {  	[tilespmem:s7], [sflag:$0x1] =	stream.indirect_vreg.gather [hbm4b:s6+s3], $0x80, v4, vm0, $0xb8;
	[tilespmem:$0xC400] =	vst v63  }
0x27: {  	s4 =	rddreg [dreg:$0x7]  }
0x28: {  	[tilespmem:s4], [sflag:$0x1] =	stream.indirect_vreg.gather [hbm4b:s1+s3], $0x80, v3, vm0, $0xb8;
	[tilespmem:$0xC400] =	vst v63  }
0x29: {  	s7 =	rddreg [dreg:$0x8]  }
0x2a: {  	[tilespmem:s7], [sflag:$0x1] =	stream.indirect_vreg.gather [hbm4b:s5+s3], $0x80, v3, vm0, $0xb8;
	[tilespmem:$0xC400] =	vst v63  }
0x2b: {  	_ = 	snop  }
0x2c: {  	[tilespmem:s10], [sflag:$0x1] =	stream.indirect_vreg.gather [hbm4b:s6+s3], $0x80, v3, vm0, $0xb8;
	[tilespmem:$0xC400] =	vst v63  }
0x2d: {  	v3 =	vld [tilespmem:s2+$0xFFFFFFF0];
	_ =	sdelay $0x4  }
0x2e: {  	v61 =	vshrl.u32 v3, $0x3  }
0x2f: {  	v4 =	vmul.u32 $0x30, v61  }
0x30: {  	v3 =	vand.u32 $0x7, v3  }
0x31: {  	v3 =	vor.u32 v3, v4  }
0x32: {  	v4 =	vperm.xlane v3, v0;
	_ =	sdelay $0x1  }
0x33: {  	v4 =	vadd.s32 v1, v4;
	_ =	sdelay $0x3  }
0x34: {  	v3 =	vperm.xlane v3, v2  }
0x35: {  	[tilespmem:s11], [sflag:$0x1] =	stream.indirect_vreg.gather [hbm4b:s1+s3], $0x80, v4, vm0, $0xb8;
	[tilespmem:$0xC400] =	vst v63  }
0x36: {  	v3 =	vadd.s32 v1, v3  }
0x37: {  	[tilespmem:s12], [sflag:$0x1] =	stream.indirect_vreg.gather [hbm4b:s5+s3], $0x80, v4, vm0, $0xb8;
	[tilespmem:$0xC400] =	vst v63  }
0x38: {  	_ = 	snop  }
0x39: {  	[tilespmem:s13], [sflag:$0x1] =	stream.indirect_vreg.gather [hbm4b:s6+s3], $0x80, v4, vm0, $0xb8;
	[tilespmem:$0xC400] =	vst v63  }
0x3a: {  	_ = 	snop  }
0x3b: {  	[tilespmem:s14], [sflag:$0x1] =	stream.indirect_vreg.gather [hbm4b:s1+s3], $0x80, v3, vm0, $0xb8;
	[tilespmem:$0xC400] =	vst v63  }
0x3c: {  	_ = 	snop  }
0x3d: {  	[tilespmem:s15], [sflag:$0x1] =	stream.indirect_vreg.gather [hbm4b:s5+s3], $0x80, v3, vm0, $0xb8;
	[tilespmem:$0xC400] =	vst v63  }
0x3e: {  	_ = 	snop  }
0x3f: {  	[tilespmem:s16], [sflag:$0x1] =	stream.indirect_vreg.gather [hbm4b:s6+s3], $0x80, v3, vm0, $0xb8;
	[tilespmem:$0xC400] =	vst v63  }
0x40: {  	v3 =	vld [tilespmem:s2+$0x0];
	_ =	sdelay $0x4  }
0x41: {  	v62 =	vshrl.u32 v3, $0x3  }
0x42: {  	v4 =	vmul.u32 $0x30, v62  }
0x43: {  	v3 =	vand.u32 $0x7, v3  }
0x44: {  	v3 =	vor.u32 v3, v4  }
0x45: {  	v4 =	vperm.xlane v3, v0;
	_ =	sdelay $0x1  }
0x46: {  	v4 =	vadd.s32 v1, v4;
	_ =	sdelay $0x3  }
0x47: {  	v3 =	vperm.xlane v3, v2  }
0x48: {  	[tilespmem:s17], [sflag:$0x1] =	stream.indirect_vreg.gather [hbm4b:s1+s3], $0x80, v4, vm0, $0xb8;
	[tilespmem:$0xC400] =	vst v63  }
0x49: {  	v3 =	vadd.s32 v1, v3  }
0x4a: {  	[tilespmem:s18], [sflag:$0x1] =	stream.indirect_vreg.gather [hbm4b:s5+s3], $0x80, v4, vm0, $0xb8;
	[tilespmem:$0xC400] =	vst v63  }
0x4b: {  	_ = 	snop  }
0x4c: {  	[tilespmem:s19], [sflag:$0x1] =	stream.indirect_vreg.gather [hbm4b:s6+s3], $0x80, v4, vm0, $0xb8;
	[tilespmem:$0xC400] =	vst v63  }
0x4d: {  	_ = 	snop  }
0x4e: {  	[tilespmem:s20], [sflag:$0x1] =	stream.indirect_vreg.gather [hbm4b:s1+s3], $0x80, v3, vm0, $0xb8;
	[tilespmem:$0xC400] =	vst v63  }
0x4f: {  	_ = 	snop  }
0x50: {  	[tilespmem:s21], [sflag:$0x1] =	stream.indirect_vreg.gather [hbm4b:s5+s3], $0x80, v3, vm0, $0xb8;
	[tilespmem:$0xC400] =	vst v63  }
0x51: {  	_ = 	snop  }
0x52: {  	[tilespmem:s22], [sflag:$0x1] =	stream.indirect_vreg.gather [hbm4b:s6+s3], $0x80, v3, vm0, $0xb8;
	[tilespmem:$0xC400] =	vst v63  }
0x53: {  	v3 =	vld [tilespmem:s2+$0x10];
	_ =	sdelay $0x4  }
0x54: {  	v63 =	vshrl.u32 v3, $0x3  }
0x55: {  	v4 =	vmul.u32 $0x30, v63  }
0x56: {  	v3 =	vand.u32 $0x7, v3  }
0x57: {  	v3 =	vor.u32 v3, v4  }
0x58: {  	v4 =	vperm.xlane v3, v0;
	_ =	sdelay $0x1  }
0x59: {  	v4 =	vadd.s32 v1, v4;
	_ =	sdelay $0x3  }
0x5a: {  	v3 =	vperm.xlane v3, v2  }
0x5b: {  	[tilespmem:s23], [sflag:$0x1] =	stream.indirect_vreg.gather [hbm4b:s1+s3], $0x80, v4, vm0, $0xb8;
	[tilespmem:$0xC400] =	vst v63  }
0x5c: {  	v3 =	vadd.s32 v1, v3  }
0x5d: {  	[tilespmem:s24], [sflag:$0x1] =	stream.indirect_vreg.gather [hbm4b:s5+s3], $0x80, v4, vm0, $0xb8;
	[tilespmem:$0xC400] =	vst v63  }
0x5e: {  	_ = 	snop  }
0x5f: {  	[tilespmem:s25], [sflag:$0x1] =	stream.indirect_vreg.gather [hbm4b:s6+s3], $0x80, v4, vm0, $0xb8;
	[tilespmem:$0xC400] =	vst v63  }
0x60: {  	_ = 	snop  }
0x61: {  	[tilespmem:s26], [sflag:$0x1] =	stream.indirect_vreg.gather [hbm4b:s1+s3], $0x80, v3, vm0, $0xb8;
	[tilespmem:$0xC400] =	vst v63  }
0x62: {  	_ = 	snop  }
0x63: {  	[tilespmem:s28], [sflag:$0x1] =	stream.indirect_vreg.gather [hbm4b:s5+s3], $0x80, v3, vm0, $0xb8;
	[tilespmem:$0xC400] =	vst v63  }
0x64: {  	_ = 	snop  }
0x65: {  	[tilespmem:s29], [sflag:$0x1] =	stream.indirect_vreg.gather [hbm4b:s6+s3], $0x80, v3, vm0, $0xb8;
	[tilespmem:$0xC400] =	vst v63  }
0x66: {  	_ =	swait.ge [sflag:s30], $0xC000  }
0x67: {  	p0 =	sne.s32 s0, $0x16800;
	s7 =	rddreg [dreg:$0x4];
	[sflag:s30] =	ssyncset.done $0x0  }
.Ltmp0:
0x68: {  	[sflag:s30] =	ssyncadd.s32 $0xFFFF4000;
	s4 =	sadd.s32 s0, s7;
	(pc) =	sbr.rel @p0 .LBB2_2-.Ltmp0, $4  }
0x69: {  	[hbm4b:s4+s3] =	stream.linear.scatter [tilespmem:s9], [sflag:$0x2], $0xC000, $0x38;
	[tilespmem:$0xC400] =	vst v63  }
0x6a: {  	_ =	swait.ge [sflag:s8], $0xC000  }
0x6b: {  	[sflag:s8] =	ssyncset.done $0x0  }
0x6c: {  	s2 =	sadd.s32 $0x40, s2;
	s0 =	sadd.s32 $0x1800, s0;
	[sflag:s8] =	ssyncadd.s32 $0xFFFF4000  }
0x6d: {  	s31 =	sadd.s32 $0x1, s31;
	s0 =	rddreg [dreg:$0xa]  }
0x6e: {  	p0 =	sne.s32 s31, s0  }
.Ltmp1:
0x6f: {  	_ = 	snop;
	(pc) =	sbr.rel @p0 .LBB2_1-.Ltmp1, $1  }
0x70: {  	_ =	sdelay $0x3  }
0x71: {  	_ =	sfence.sel $0x180000  }
0x72: {  	[bflag:$0x0] =	sbarrier.arrive $0xFFFF  }
0x73: {  	_ =	strace $0x90000047  }
0x74: {  	s0 =	stileid.u32;
	[bflag:$0x2] =	sbarrier.arrive $0xFFFF  }
0x75: {  	p0 =	sne.s32 s0, $0x0;
	s0 =	rddreg [dreg:$0x3]  }
0x76: {  	s0 =	sadd.s32 @!p0 $0x100000, s0  }
0x77: {  	[sflag:s0] =	ssyncadd.tile.s32 @!p0 $0x1;
	_ =	shalt  }
.Lfunc_end2:
_tile_overlayer_lowered:
.L_overlay_start_2:
0x78: {  	(tag) =	ssettag $0x2  }
0x79: {  	s0 =	rddreg [dreg:$0x0];
	s2 =	stileid.u32  }
0x7a: {  	s1 =	rddreg [dreg:$0x1];
	p0 =	sne.s32 s2, $0x0  }
0x7b: {  	s3 =	rddreg [dreg:$0x2];
	[bflag:$0x3] =	sbarrier.arrive $0xFFFF;
	s2 =	simm.s32 @!p0 $0x1C02  }
0x7c: {  	[timem:s3], [sflag:s2] =	dma.local @!p0 [hbm:s0], s1  }
0x7d: {  	s0 =	simm.s32 @!p0 $0x2  }
0x7e: {  	_ =	swait.ge @!p0 [sflag:s0], s1  }
0x7f: {  	s1 =	ssub.s32 @!p0 $0x0, s1;
	[sflag:s0] =	ssyncset.done @!p0 $0x0  }
0x80: {  	[sflag:s0] =	ssyncadd.s32 @!p0 s1  }
0x81: {  	[bflag:$0x3] =	sbarrier.arrive $0xFFFF  }
0x82: {  	_ =	shalt  }

</sc_bundles>
